<compile_context>
chip_gen: v7x
topology: tpu7x:2x2x1
jax: 0.10.2.dev20260603
libtpu: 0.0.44.dev20260713+nightly
codegen_flags: <defaults>
</compile_context>

<pallas_src>
import functools

import jax
import jax.numpy as jnp
from jax import lax
from jax.experimental import pallas as pl
from jax.experimental.pallas import tpu as pltpu
from jax.experimental.pallas import tpu_sc as plsc

_N = 10000
_E = 320000
_L = 16
_NC, _NS = 2, 16
_NW = _NC * _NS
_EPT = _E // _NW
_NPAD = 10240
_NPT = _NPAD // _NS
_C0 = 5200
_C1 = _EPT - _C0


def _heat_body(col_hbm, ea_hbm, t_hbm, out_hbm,
               col_v, hist_v, red_v, dinv_v, ea_v, out_v, t_v,
               sh_hist, sh_dinv, sem_col, sem_ea, sem_t, sem_deg, sem_out):
    s = lax.axis_index("s")


@jax.jit
def _heat_weights(col, edge_attr, tb):
    mesh = plsc.VectorSubcoreMesh(core_axis_name="c", subcore_axis_name="s",
                                  num_cores=1, num_subcores=_NS)
    return pl.kernel(
        _heat_body,
        out_type=jax.ShapeDtypeStruct((_E,), jnp.float32),
        mesh=mesh,
        compiler_params=pltpu.CompilerParams(needs_layout_passes=False),
        scratch_types=[
            pltpu.VMEM((2 * _EPT,), jnp.int32),
            pltpu.VMEM((_NPAD,), jnp.float32),
            pltpu.VMEM((_NS, _NPT), jnp.float32),
            pltpu.VMEM((_NPAD,), jnp.float32),
            pltpu.VMEM((_EPT,), jnp.float32),
            pltpu.VMEM((_EPT,), jnp.float32),
            pltpu.VMEM((_L,), jnp.float32),
            pltpu.VMEM_SHARED((_NS, _NPAD), jnp.float32),
            pltpu.VMEM_SHARED((_NPAD,), jnp.float32),
            pltpu.SemaphoreType.DMA,
            pltpu.SemaphoreType.DMA,
            pltpu.SemaphoreType.DMA,
            pltpu.SemaphoreType.DMA,
            pltpu.SemaphoreType.DMA,
        ],
    )(col, edge_attr, tb)


def kernel(x, edge_index, edge_attr, t):
    col = edge_index[1]
    tb = jnp.broadcast_to(t.astype(jnp.float32), (_L,))
    w = _heat_weights(col, edge_attr, tb)
    return (edge_index, w)

# --- scband reference (transcript-rebuilt; emitter-appended) ---
"""Pipeline reference for scband-heat-kernel-25744033972456 (READ-ONLY COPY).

The authoritative reference and input builder live on the scoring server;
editing this copy changes nothing except your own understanding.
"""

import jax, jax.numpy as jnp
import numpy as np

N = 10000
E = 320000
D = 128


def setup_inputs(seed: int = 0) -> dict:
    key = jax.random.key(seed)
    k1, k2, k3 = jax.random.split(key, 3)
    x = jax.random.normal(k1, (N, D), dtype=jnp.float32)
    edge_index = jax.random.randint(k2, (2, E), 0, N, dtype=jnp.int32)
    edge_attr = jax.random.uniform(k3, (E,), dtype=jnp.float32)
    # learned parameter: self.t = nn.Parameter(torch.zeros(1))
    t = jnp.zeros((1,), dtype=jnp.float32)
    return {"x": x, "edge_index": edge_index, "edge_attr": edge_attr, "t": t}


def reference(x, edge_index, edge_attr, t):
    row, col = edge_index[0], edge_index[1]
    # degree(col, x.size(0), dtype=x.dtype): scatter-add of ones over dst index
    deg = jax.ops.segment_sum(jnp.ones(col.shape[0], dtype=x.dtype), col, num_segments=x.shape[0])
    # deg.pow(-1)
    deg_inv = 1.0 / deg
    # edge_attr_t = t * edge_attr * deg_inv[col] - t  (gather deg_inv at col)
    edge_attr_t = t * edge_attr * jnp.take(deg_inv, col, axis=0) - t
    return (edge_index, jnp.exp(edge_attr_t))

if __name__ == "__main__":
    import jax
    _d = setup_inputs()
    print(jax.jit(kernel)(*tuple(_d.values())))

</pallas_src>

<mosaic_0001>
#map = affine_map<(d0, d1) -> (0)>
module attributes {stable_mosaic.version = 14 : i64} {
  func.func @_heat_body(%arg0: i32, %arg1: i32, %arg2: memref<320000xi32, #tpu.memory_space<hbm>>, %arg3: memref<320000xf32, #tpu.memory_space<hbm>>, %arg4: memref<16xf32, #tpu.memory_space<hbm>>, %arg5: memref<320000xf32, #tpu.memory_space<hbm>>, %arg6: memref<20000xi32, #tpu.memory_space<vmem>>, %arg7: memref<10240xf32, #tpu.memory_space<vmem>>, %arg8: memref<16x640xf32, #tpu.memory_space<vmem>>, %arg9: memref<10240xf32, #tpu.memory_space<vmem>>, %arg10: memref<10000xf32, #tpu.memory_space<vmem>>, %arg11: memref<10000xf32, #tpu.memory_space<vmem>>, %arg12: memref<16xf32, #tpu.memory_space<vmem>>, %arg13: memref<16x10240xf32, #tpu.memory_space<vmem_shared>>, %arg14: memref<10240xf32, #tpu.memory_space<vmem_shared>>, %arg15: memref<!tpu.dma_semaphore, #tpu.memory_space<semaphore_mem>>, %arg16: memref<!tpu.dma_semaphore, #tpu.memory_space<semaphore_mem>>, %arg17: memref<!tpu.dma_semaphore, #tpu.memory_space<semaphore_mem>>, %arg18: memref<!tpu.dma_semaphore, #tpu.memory_space<semaphore_mem>>, %arg19: memref<!tpu.dma_semaphore, #tpu.memory_space<semaphore_mem>>) attributes {dimension_semantics = [#tpu.dimension_semantics<core_parallel>, #tpu.dimension_semantics<subcore_parallel>], iteration_bounds = array<i64: 1, 16>, scalar_prefetch = 0 : i64, scratch_operands = 14 : i64, tpu.core_type = #tpu.core_type<sc_vector_subcore>, window_params = [{transform_indices = #map}, {transform_indices = #map}, {transform_indices = #map}, {transform_indices = #map}]} {
    return
  }
}

</mosaic_0001>

<sc_bundles>
// kernel: _heat_weights.3.cloned.1.call-start
scs
__scs_entry_jumppad:
0x0: {  	(pc) =	sbr.rel $0x88, $3  }
0x1: {  	(tag) =	ssettag $0x0;
	lr =	simm.s32 $0x1  }
0x2: {  	[smem:$0x3F9E] =	sst lr;
	_ =	strace $0xD0000000  }
0x3: {  	_ = 	snop  }
0x4: {  	_ = 	snop  }
0x5: {  	_ = 	snop  }
0x6: {  	_ = 	snop  }
0x7: {  	_ = 	snop  }
__scs_overlays_trampoline_lowered:
0x8: {  	[smem:$0x3FAD] =	sst s0  }
0x9: {  	[smem:$0x3FAE] =	sst s1  }
0xa: {  	[smem:$0x3FAF] =	sst s2  }
0xb: {  	[smem:$0x3FB0] =	sst s3  }
0xc: {  	[smem:$0x3FB1] =	sst s4  }
0xd: {  	[smem:$0x3FB2] =	sst s5  }
0xe: {  	[smem:$0x3FB3] =	sst s6  }
0xf: {  	[smem:$0x3FB4] =	sst s7  }
0x10: {  	[smem:$0x3FB5] =	sst s8  }
0x11: {  	[smem:$0x3FB6] =	sst s9;
	s0 =	simm.s32 @!p0 $0x0  }
0x12: {  	s1 =	sld [smem:$0x3F9C];
	s0 =	simm.s32 @p0 $0x1  }
0x13: {  	[smem:$0x3FB7] =	sst s0;
	s0 =	simm.s32 @!p1 $0x0  }
0x14: {  	s2 =	sld [smem:$0x3F9B];
	s0 =	simm.s32 @p1 $0x1  }
0x15: {  	[smem:$0x3FB8] =	sst s0;
	s0 =	simm.s32 @!p2 $0x0  }
0x16: {  	s3 =	sld [smem:$0x3FDB];
	s0 =	simm.s32 @p2 $0x1  }
0x17: {  	s4 =	simm.s32 $0x1BF5;
	[smem:$0x3FBA] =	sst s0  }
0x18: {  	s0 =	sld [smem:$0x3F9D];
	_ =	swait.ge [sflag:s4], $0x0  }
0x19: {  	s7 =	sld [smem:$0x3F9E]  }
0x1a: {  	s8 =	sadd.s32 $0xFFFFE003, lr  }
0x1b: {  	s9 =	sadd.s32 $0xFFFFFEF7, lr;
	s5 =	simm.s32 $0xFFFFFFFF;
	p2 =	slt.u32 s8, $0xFFFFF086  }
0x1c: {  	p1 =	slt.u32 s9, $0xF7A;
	s5 =	simm.s32 @!p2 $0x0  }
0x1d: {  	s5 =	simm.s32 @p1 $0x1;
	p0 =	seq.s32 s7, s2  }
0x1e: {  	s7 =	smul.u32 @!p0 $0xF7A, s2;
	p2 =	seq.s32 @!p0 s5, $0x0  }
0x1f: {  	s9 =	smul.u32 $0xF7A, s1;
	s8 =	simm.s32 @!p0 $0x1BF5;
	p2 =	por !p2, p0  }
0x20: {  	[sflag:s8] =	ssyncset.s32 @!p0 $0xFFFFF086;
	s6 =	sadd.s32 @!p0 s3, s7;
	s7 =	simm.s32 @!p0 $0x108  }
0x21: {  	s3 =	sadd.s32 s3, s9;
	s6 =	sadd.s32 @!p0 $0x88, s6;
	s7 =	simm.s32 @p2 $0x1082  }
0x22: {  	[simem:s7], [sflag:s8] =	dma.local @!p0 [hbm:s6], $0xF7A  }
0x23: {  	s9 =	sor.u32 $0xD0000000, s2;
	s6 =	simm.s32 $0x108;
	_ =	swait.ge @!p0 [sflag:s8], $0x0  }
0x24: {  	s3 =	sadd.s32 $0x88, s3;
	s6 =	simm.s32 @!p1 $0x1082;
	[sflag:s4] =	ssyncset.s32 $0xFFFFF086  }
0x25: {  	[simem:s6], [sflag:s4] =	dma.local [hbm:s3], $0xF7A  }
0x26: {  	[smem:$0x3F9E] =	sst s1;
	(tag) =	ssettag s2;
	_ =	strace s9  }
0x27: {  	s1 =	sld [smem:$0x3FAE]  }
0x28: {  	s2 =	sld [smem:$0x3FAF]  }
0x29: {  	s4 =	sld [smem:$0x3FB1]  }
0x2a: {  	p0 =	seq.s32 s5, $0x0;
	s5 =	sld [smem:$0x3FB2]  }
0x2b: {  	s6 =	sld [smem:$0x3FB3]  }
0x2c: {  	s7 =	sld [smem:$0x3FB4]  }
0x2d: {  	s3 =	simm.s32 $0x108;
	s8 =	sld [smem:$0x3FB5]  }
0x2e: {  	s3 =	simm.s32 @!p0 $0x1082;
	s9 =	sld [smem:$0x3FB6]  }
0x2f: {  	lr =	sadd.s32 s0, s3;
	s0 =	sld [smem:$0x3FAD]  }
0x30: {  	s3 =	sld [smem:$0x3FB0]  }
0x31: {  	[smem:$0x3FB9] =	sst s10  }
0x32: {  	s10 =	sld [smem:$0x3FB7];
	_ =	sdelay $0x3  }
0x33: {  	p0 =	seq.s32 s10, $0x1;
	s10 =	sld [smem:$0x3FB9];
	_ =	sdelay $0x3  }
0x34: {  	[smem:$0x3FB9] =	sst s10  }
0x35: {  	s10 =	sld [smem:$0x3FB8];
	_ =	sdelay $0x3  }
0x36: {  	p1 =	seq.s32 s10, $0x1;
	s10 =	sld [smem:$0x3FB9];
	_ =	sdelay $0x3  }
0x37: {  	[smem:$0x3FB9] =	sst s10  }
0x38: {  	s10 =	sld [smem:$0x3FBA]  }
0x39: {  	_ = 	snop;
	(pc) =	sbr.ind lr, $3  }
0x3a: {  	_ = 	snop  }
0x3b: {  	_ = 	snop  }
0x3c: {  	p2 =	seq.s32 s10, $0x1;
	s10 =	sld [smem:$0x3FB9]  }
0x3d: {  	_ =	shalt  }
0x3e: {  	_ =	shalt  }
0x3f: {  	_ =	shalt  }
0x40: {  	_ =	shalt  }
0x41: {  	_ =	shalt  }
0x42: {  	_ =	shalt  }
0x43: {  	_ =	shalt  }
0x44: {  	_ =	shalt  }
0x45: {  	_ =	shalt  }
0x46: {  	_ =	shalt  }
0x47: {  	_ =	shalt  }
0x48: {  	_ =	shalt  }
0x49: {  	_ =	shalt  }
0x4a: {  	_ =	shalt  }
0x4b: {  	_ =	shalt  }
0x4c: {  	_ =	shalt  }
0x4d: {  	_ =	shalt  }
0x4e: {  	_ =	shalt  }
0x4f: {  	_ =	shalt  }
0x50: {  	_ =	shalt  }
0x51: {  	_ =	shalt  }
0x52: {  	_ =	shalt  }
0x53: {  	_ =	shalt  }
0x54: {  	_ =	shalt  }
0x55: {  	_ =	shalt  }
0x56: {  	_ =	shalt  }
0x57: {  	_ =	shalt  }
0x58: {  	_ =	shalt  }
0x59: {  	_ =	shalt  }
0x5a: {  	_ =	shalt  }
0x5b: {  	_ =	shalt  }
0x5c: {  	_ =	shalt  }
0x5d: {  	_ =	shalt  }
0x5e: {  	_ =	shalt  }
0x5f: {  	_ =	shalt  }
0x60: {  	_ =	shalt  }
0x61: {  	_ =	shalt  }
0x62: {  	_ =	shalt  }
0x63: {  	_ =	shalt  }
0x64: {  	_ =	shalt  }
0x65: {  	_ =	shalt  }
0x66: {  	_ =	shalt  }
0x67: {  	_ =	shalt  }
0x68: {  	_ =	shalt  }
0x69: {  	_ =	shalt  }
0x6a: {  	_ =	shalt  }
0x6b: {  	_ =	shalt  }
0x6c: {  	_ =	shalt  }
0x6d: {  	_ =	shalt  }
0x6e: {  	_ =	shalt  }
0x6f: {  	_ =	shalt  }
0x70: {  	_ =	shalt  }
0x71: {  	_ =	shalt  }
0x72: {  	_ =	shalt  }
0x73: {  	_ =	shalt  }
0x74: {  	_ =	shalt  }
0x75: {  	_ =	shalt  }
0x76: {  	_ =	shalt  }
0x77: {  	_ =	shalt  }
0x78: {  	_ =	shalt  }
0x79: {  	_ =	shalt  }
0x7a: {  	_ =	shalt  }
0x7b: {  	_ =	shalt  }
0x7c: {  	_ =	shalt  }
0x7d: {  	_ =	shalt  }
0x7e: {  	_ =	shalt  }
0x7f: {  	_ =	shalt  }
0x80: {  	_ =	shalt  }
0x81: {  	_ =	shalt  }
0x82: {  	_ =	shalt  }
0x83: {  	_ =	shalt  }
0x84: {  	_ =	shalt  }
0x85: {  	_ =	shalt  }
0x86: {  	_ =	shalt  }
0x87: {  	_ =	shalt  }
.Lfunc_end0:
.L_simem_size_0:
called_computation_lowered:
.L_overlay_start_0:
0x88: {  	s0 =	sld [smem:$0x3FD9]  }
0x89: {  	s1 =	sld [smem:$0x3FFE];
	_ =	sdelay $0x3  }
0x8a: {  	s0 =	sadd.s32 s1, s0  }
0x8b: {  	[smem:$0x3FC5] =	sst s0  }
0x8c: {  	_ = 	snop  }
0x8d: {  	(tm) =	ssettm $0x1  }
0x8e: {  	s16 =	sld [smem:$0x3FFB];
	_ =	sdelay $0x3  }
0x8f: {  	_ =	strace s16  }
0x90: {  	s0 =	sld [smem:$0x3FFC];
	_ =	sdelay $0x3  }
0x91: {  	_ =	strace s0  }
0x92: {  	s0 =	sld [smem:$0x3FFD];
	_ =	sdelay $0x3  }
0x93: {  	_ =	strace s0  }
0x94: {  	_ =	strace $0x8FFFFFFF  }
0x95: {  	s17 =	sld [smem:$0x3FDB];
	_ =	sdelay $0x1  }
0x96: {  	s18 =	simm.s32 $_scs_section_size  }
0x97: {  	s2 =	simm.s32 $_size__tile_overlayer_lowered;
	s3 =	simm.s32 $_tile_overlayer_lowered  }
0x98: {  	s21 =	simm.s32 $0x1BFF;
	s20 =	sshll.u32 s3, $0x1;
	s0 =	sadd.s32 s18, s17  }
0x99: {  	s4 =	simm.s32 $0x0;
	s19 =	sshll.u32 s2, $0x1;
	s2 =	sadd.s32 s20, s0  }
0x9a: {  	[timem:s4], [sflag:s21] =	dma.local [hbm:s2], s19  }
0x9b: {  	_ =	swait.ge [sflag:s21], s19  }
0x9c: {  	s1 =	ssub.s32 $0x0, s19;
	[sflag:s21] =	ssyncset.done $0x0  }
0x9d: {  	[sflag:s21] =	ssyncadd.s32 s1;
	_ =	sdelay $0x1  }
0x9e: {  	s22 =	simm.s32 $0x1B8B  }
0x9f: {  	_ =	swait.ge [sflag:s22], $0x1  }
0xa0: {  	[sflag:s22] =	ssyncset.done $0x0  }
0xa1: {  	s23 =	simm.s32 $0x1B8E;
	[sflag:s22] =	ssyncadd.s32 $0xFFFFFFFF  }
0xa2: {  	s24 =	simm.s32 $execute0_lowered;
	[smem:$0x3FD2] =	sst s23  }
0xa3: {  	s1 =	sshll.u32 s24, $0x1;
	_ =	strace $0x80000046;
	[dreg:$0x1] =	wrdreg $0xFFFFFFFF  }
0xa4: {  	s25 =	simm.s32 $_size_execute0_lowered;
	s0 =	sadd.s32 s0, s1;
	[dreg:$0x0] =	wrdreg $0x0  }
0xa5: {  	s1 =	sshll.u32 s25, $0x1;
	[dreg:$0x2] =	wrdreg s0  }
0xa6: {  	[dreg:$0x3] =	wrdreg s1  }
0xa7: {  	[dreg:$0x4] =	wrdreg $0xC0  }
0xa8: {  	_ =	task [dreg:s4], $0x5FFFF  }
0xa9: {  	[dreg:$0x1] =	wrdreg $0xFFFFFFFF  }
0xaa: {  	[dreg:$0x0] =	wrdreg $0x60  }
0xab: {  	[dreg:$0x2] =	wrdreg $0x9  }
0xac: {  	_ =	task.clear_ibuf [dreg:s4], $0x3FFFF;
	_ =	strace $0x90000046  }
0xad: {  	s26 =	simm.s32 $0x9;
	_ =	strace $0x80000048  }
0xae: {  	_ =	swait.ge [sflag:s26], $0x1  }
0xaf: {  	[sflag:s26] =	ssyncadd.s32 $0xFFFFFFFF  }
0xb0: {  	_ =	strace $0x90000048  }
0xb1: {  	_ =	sfence  }
0xb2: {  	s28 =	sld [smem:$0x0];
	_ =	sdelay $0x1  }
0xb3: {  	s29 =	srdreg.scid  }
0xb4: {  	s30 =	sshll.u32 s29, $0xD;
	s31 =	sshrl.u32 s29, $0x2  }
0xb5: {  	s2 =	sand.u32 $0x4000, s30;
	s1 =	sand.u32 $0x1, s29;
	s0 =	sadd.s32 s31, s28  }
0xb6: {  	s1 =	sor.u32 s2, s1;
	s0 =	sshll.u32 s0, $0x11  }
0xb7: {  	s0 =	sor.u32 s0, s1  }
0xb8: {  	s0 =	sadd.s32 $0x8F2B, s0  }
0xb9: {  	[sflag:s0] =	ssyncadd.remote.s32 $0x1  }
0xba: {  	_ =	sfence.sel $0xFFFF  }
0xbb: {  	[dreg:$0x0] =	wrdreg $0xFFFFFFFF;
	(pc) =	sbr.abs _section_cstart, $3  }
0xbc: {  	[dreg:$0x1] =	wrdreg $0xFFFFFFFF  }
0xbd: {  	_ =	task.clear_ibuf [dreg:s4], $0x2FFFF;
	_ =	strace $0x9FFFFFFF  }
0xbe: {  	(tm) =	ssettm $0x7FFFFFFF  }
0xbf: {  	_ =	shalt  }
tec
execute0_lowered:
.L_overlay_start_1:
0x0: {  	(tag) =	ssettag $0x1  }
0x1: {  	s0 =	rddreg [dreg:$0x0];
	_ =	strace $0x80000047  }
0x2: {  	_ =	sfence.sel $0x180000  }
0x3: {  	s1 =	stileid.u32;
	[bflag:$0x0] =	sbarrier.arrive $0xFFFF  }
0x4: {  	p0 =	sne.s32 s1, $0x0;
	_ =	strace $0x90000047  }
0x5: {  	s0 =	sadd.s32 @!p0 $0x100000, s0;
	[bflag:$0x2] =	sbarrier.arrive $0xFFFF  }
0x6: {  	[sflag:s0] =	ssyncadd.tile.s32 @!p0 $0x1;
	_ =	shalt  }
.Lfunc_end2:
_tile_overlayer_lowered:
.L_overlay_start_2:
0x7: {  	(tag) =	ssettag $0x2  }
0x8: {  	s0 =	rddreg [dreg:$0x0];
	s2 =	stileid.u32  }
0x9: {  	s1 =	rddreg [dreg:$0x1];
	p0 =	sne.s32 s2, $0x0  }
0xa: {  	s3 =	rddreg [dreg:$0x2];
	[bflag:$0x3] =	sbarrier.arrive $0xFFFF;
	s2 =	simm.s32 @!p0 $0x1C01  }
0xb: {  	[timem:s3], [sflag:s2] =	dma.local @!p0 [hbm:s0], s1  }
0xc: {  	s0 =	simm.s32 @!p0 $0x1  }
0xd: {  	_ =	swait.ge @!p0 [sflag:s0], s1  }
0xe: {  	s1 =	ssub.s32 @!p0 $0x0, s1;
	[sflag:s0] =	ssyncset.done @!p0 $0x0  }
0xf: {  	[sflag:s0] =	ssyncadd.s32 @!p0 s1  }
0x10: {  	[bflag:$0x3] =	sbarrier.arrive $0xFFFF  }
0x11: {  	_ =	shalt  }

</sc_bundles>
